<compile_context>
chip_gen: v7x
topology: tpu7x:2x2x1
jax: 0.10.2.dev20260603
libtpu: 0.0.44.dev20260713+nightly
codegen_flags: <defaults>
</compile_context>

<pallas_src>
import functools

import jax
import jax.numpy as jnp
from jax import lax
from jax.experimental import pallas as pl
from jax.experimental.pallas import tpu as pltpu
from jax.experimental.pallas import tpu_sc as plsc


def kernel(x, pos_emb):
    seq = x.shape[1]
    d = pos_emb.shape[1]
    info = plsc.get_sparse_core_info()
    nw = info.num_cores * info.num_subcores
    rows_per = seq // nw
    mesh = plsc.VectorSubcoreMesh(core_axis_name="c", subcore_axis_name="s")

    ch = 32
    nch = rows_per // ch

    @functools.partial(
        pl.kernel,
        mesh=mesh,
        out_type=jax.ShapeDtypeStruct((seq, d), jnp.float32),
        scratch_types=[
            pltpu.VMEM((2, ch, d), jnp.float32),
            pltpu.SemaphoreType.DMA((2,)),
            pltpu.SemaphoreType.DMA((2,)),
        ],
    )
    def copy_rows(pe_hbm, out_hbm, buf, in_sem, out_sem):
        wid = lax.axis_index("s") * info.num_cores + lax.axis_index("c")
        base = wid * rows_per
        pltpu.make_async_copy(
            pe_hbm.at[pl.ds(base, ch)], buf.at[0], in_sem.at[0]
        ).start()
        for g in range(nch):
            cur = g % 2
            nxt = (g + 1) % 2
            if g + 1 < nch:
                if g >= 1:
                    pltpu.make_async_copy(
                        buf.at[nxt],
                        out_hbm.at[pl.ds(base + (g - 1) * ch, ch)],
                        out_sem.at[nxt],
                    ).wait()
                pltpu.make_async_copy(
                    pe_hbm.at[pl.ds(base + (g + 1) * ch, ch)],
                    buf.at[nxt],
                    in_sem.at[nxt],
                ).start()
            pltpu.make_async_copy(
                pe_hbm.at[pl.ds(base + g * ch, ch)], buf.at[cur], in_sem.at[cur]
            ).wait()
            pltpu.make_async_copy(
                buf.at[cur],
                out_hbm.at[pl.ds(base + g * ch, ch)],
                out_sem.at[cur],
            ).start()
        for g in range(max(nch - 2, 0), nch):
            pltpu.make_async_copy(
                buf.at[g % 2],
                out_hbm.at[pl.ds(base + g * ch, ch)],
                out_sem.at[g % 2],
            ).wait()

    return copy_rows(pos_emb)

# --- scband reference (transcript-rebuilt; emitter-appended) ---
"""Pipeline reference for scband-non-trainable-position-embedding-25348896980997 (READ-ONLY COPY).

The authoritative reference and input builder live on the scoring server;
editing this copy changes nothing except your own understanding.
"""

import jax, jax.numpy as jnp
import numpy as np


def _positional_encoding(position, d_model):
    pos = np.arange(position)[:, None].astype(np.float32)
    i = np.arange(d_model)[None, :].astype(np.float32)
    angle_rates = 1.0 / np.power(10000.0, 2.0 * (i // 2) / np.float32(d_model))
    angle_rads = pos * angle_rates
    angle_rads[:, 0::2] = np.sin(angle_rads[:, 0::2])
    angle_rads[:, 1::2] = np.cos(angle_rads[:, 1::2])
    return jnp.asarray(angle_rads, dtype=jnp.float32)


def setup_inputs(seed: int = 0) -> dict:
    key = jax.random.key(seed)
    x = jax.random.normal(key, (4, 4096, 1024), dtype=jnp.float32)
    # Non-trainable sinusoidal table, sized per init_kwargs (maxlen=8192, embed_dim=1024).
    pos_emb = _positional_encoding(8192, 1024)
    return {"x": x, "pos_emb": pos_emb}


def reference(x, pos_emb):
    # Faithful translation of call(): gather rows [0, seq_len) from the
    # precomputed sinusoidal table. Output depends only on x's seq dim.
    maxlen = x.shape[1]
    positions = jnp.arange(maxlen)
    position_embeddings = jnp.take(pos_emb, positions, axis=0)
    return position_embeddings

if __name__ == "__main__":
    import jax
    _d = setup_inputs()
    print(jax.jit(kernel)(*tuple(_d.values())))

</pallas_src>

<mosaic_0001>
#map = affine_map<(d0, d1) -> (0, 0)>
module attributes {stable_mosaic.version = 14 : i64} {
  func.func @copy_rows(%arg0: i32, %arg1: i32, %arg2: memref<8192x1024xf32, #tpu.memory_space<hbm>>, %arg3: memref<4096x1024xf32, #tpu.memory_space<hbm>>, %arg4: memref<2x32x1024xf32, #tpu.memory_space<vmem>>, %arg5: memref<2x!tpu.dma_semaphore, #tpu.memory_space<semaphore_mem>>, %arg6: memref<2x!tpu.dma_semaphore, #tpu.memory_space<semaphore_mem>>) attributes {dimension_semantics = [#tpu.dimension_semantics<core_parallel>, #tpu.dimension_semantics<subcore_parallel>], iteration_bounds = array<i64: 2, 16>, scalar_prefetch = 0 : i64, scratch_operands = 3 : i64, tpu.core_type = #tpu.core_type<sc_vector_subcore>, window_params = [{transform_indices = #map}, {transform_indices = #map}]} {
    %mul3A = arith.constant 2 : i32
    %mul3A_0 = arith.muli %arg1, %mul3A : i32
    %add3A = arith.addi %mul3A_0, %arg0 : i32
    %mul3A_1 = arith.constant 128 : i32
    %mul3A_2 = arith.muli %add3A, %mul3A_1 : i32
    %dma_start3A = arith.constant 0 : i32
    %dma_start3A_3 = arith.constant 0 : i32
    %dma_start3A_4 = arith.constant 0 : i32
    %dma_start3A_5 = arith.constant 0 : i32
    %dma_start3A_6 = tpu.memref_slice %arg4[%dma_start3A, %dma_start3A_4, %dma_start3A_5] : memref<2x32x1024xf32, #tpu.memory_space<vmem>> -> memref<1x32x1024xf32, #tpu.memory_space<vmem>>
    %dma_start3A_7 = tpu.memref_squeeze %dma_start3A_6 : memref<1x32x1024xf32, #tpu.memory_space<vmem>> -> memref<32x1024xf32, #tpu.memory_space<vmem>>
    %dma_start3A_8 = arith.constant 0 : i32
    %dma_start3A_9 = tpu.memref_slice %arg2[%mul3A_2, %dma_start3A_8] : memref<8192x1024xf32, #tpu.memory_space<hbm>> -> memref<32x1024xf32, #tpu.memory_space<hbm>>
    %dma_start3A_10 = tpu.memref_slice %arg5[%dma_start3A_3] : memref<2x!tpu.dma_semaphore, #tpu.memory_space<semaphore_mem>> -> memref<1x!tpu.dma_semaphore, #tpu.memory_space<semaphore_mem>>
    %dma_start3A_11 = tpu.memref_squeeze %dma_start3A_10 : memref<1x!tpu.dma_semaphore, #tpu.memory_space<semaphore_mem>> -> memref<!tpu.dma_semaphore, #tpu.memory_space<semaphore_mem>>
    %dma_start3A_12 = arith.constant 0 : i32
    %dma_start3A_13 = arith.constant 0 : i32
    %dma_start3A_14 = tpu.memref_slice %arg4[%dma_start3A, %dma_start3A_12, %dma_start3A_13] : memref<2x32x1024xf32, #tpu.memory_space<vmem>> -> memref<1x32x1024xf32, #tpu.memory_space<vmem>>
    %dma_start3A_15 = tpu.memref_squeeze %dma_start3A_14 : memref<1x32x1024xf32, #tpu.memory_space<vmem>> -> memref<32x1024xf32, #tpu.memory_space<vmem>>
    %dma_start3A_16 = arith.constant 0 : i32
    %dma_start3A_17 = tpu.memref_slice %arg2[%mul3A_2, %dma_start3A_16] : memref<8192x1024xf32, #tpu.memory_space<hbm>> -> memref<32x1024xf32, #tpu.memory_space<hbm>>
    tpu.enqueue_dma source(%dma_start3A_17 : memref<32x1024xf32, #tpu.memory_space<hbm>>) target(%dma_start3A_15 : memref<32x1024xf32, #tpu.memory_space<vmem>>) target_semaphore(%dma_start3A_11 : memref<!tpu.dma_semaphore, #tpu.memory_space<semaphore_mem>>)
    %add3A_18 = arith.constant 32 : i32
    %add3A_19 = arith.addi %mul3A_2, %add3A_18 : i32
    %dma_start3A_20 = arith.constant 1 : i32
    %dma_start3A_21 = arith.constant 1 : i32
    %dma_start3A_22 = arith.constant 0 : i32
    %dma_start3A_23 = arith.constant 0 : i32
    %dma_start3A_24 = tpu.memref_slice %arg4[%dma_start3A_20, %dma_start3A_22, %dma_start3A_23] : memref<2x32x1024xf32, #tpu.memory_space<vmem>> -> memref<1x32x1024xf32, #tpu.memory_space<vmem>>
    %dma_start3A_25 = tpu.memref_squeeze %dma_start3A_24 : memref<1x32x1024xf32, #tpu.memory_space<vmem>> -> memref<32x1024xf32, #tpu.memory_space<vmem>>
    %dma_start3A_26 = arith.constant 0 : i32
    %dma_start3A_27 = tpu.memref_slice %arg2[%add3A_19, %dma_start3A_26] : memref<8192x1024xf32, #tpu.memory_space<hbm>> -> memref<32x1024xf32, #tpu.memory_space<hbm>>
    %dma_start3A_28 = tpu.memref_slice %arg5[%dma_start3A_21] : memref<2x!tpu.dma_semaphore, #tpu.memory_space<semaphore_mem>> -> memref<1x!tpu.dma_semaphore, #tpu.memory_space<semaphore_mem>>
    %dma_start3A_29 = tpu.memref_squeeze %dma_start3A_28 : memref<1x!tpu.dma_semaphore, #tpu.memory_space<semaphore_mem>> -> memref<!tpu.dma_semaphore, #tpu.memory_space<semaphore_mem>>
    %dma_start3A_30 = arith.constant 0 : i32
    %dma_start3A_31 = arith.constant 0 : i32
    %dma_start3A_32 = tpu.memref_slice %arg4[%dma_start3A_20, %dma_start3A_30, %dma_start3A_31] : memref<2x32x1024xf32, #tpu.memory_space<vmem>> -> memref<1x32x1024xf32, #tpu.memory_space<vmem>>
    %dma_start3A_33 = tpu.memref_squeeze %dma_start3A_32 : memref<1x32x1024xf32, #tpu.memory_space<vmem>> -> memref<32x1024xf32, #tpu.memory_space<vmem>>
    %dma_start3A_34 = arith.constant 0 : i32
    %dma_start3A_35 = tpu.memref_slice %arg2[%add3A_19, %dma_start3A_34] : memref<8192x1024xf32, #tpu.memory_space<hbm>> -> memref<32x1024xf32, #tpu.memory_space<hbm>>
    tpu.enqueue_dma source(%dma_start3A_35 : memref<32x1024xf32, #tpu.memory_space<hbm>>) target(%dma_start3A_33 : memref<32x1024xf32, #tpu.memory_space<vmem>>) target_semaphore(%dma_start3A_29 : memref<!tpu.dma_semaphore, #tpu.memory_space<semaphore_mem>>)
    %add3A_36 = arith.constant 0 : i32
    %add3A_37 = arith.addi %mul3A_2, %add3A_36 : i32
    %dma_wait3A = arith.constant 0 : i32
    %dma_wait3A_38 = arith.constant 0 : i32
    %dma_wait3A_39 = arith.constant 0 : i32
    %dma_wait3A_40 = arith.constant 0 : i32
    %dma_wait3A_41 = tpu.memref_slice %arg4[%dma_wait3A, %dma_wait3A_39, %dma_wait3A_40] : memref<2x32x1024xf32, #tpu.memory_space<vmem>> -> memref<1x32x1024xf32, #tpu.memory_space<vmem>>
    %dma_wait3A_42 = tpu.memref_squeeze %dma_wait3A_41 : memref<1x32x1024xf32, #tpu.memory_space<vmem>> -> memref<32x1024xf32, #tpu.memory_space<vmem>>
    %dma_wait3A_43 = arith.constant 0 : i32
    %dma_wait3A_44 = tpu.memref_slice %arg2[%add3A_37, %dma_wait3A_43] : memref<8192x1024xf32, #tpu.memory_space<hbm>> -> memref<32x1024xf32, #tpu.memory_space<hbm>>
    %dma_wait3A_45 = tpu.memref_slice %arg5[%dma_wait3A_38] : memref<2x!tpu.dma_semaphore, #tpu.memory_space<semaphore_mem>> -> memref<1x!tpu.dma_semaphore, #tpu.memory_space<semaphore_mem>>
    %dma_wait3A_46 = tpu.memref_squeeze %dma_wait3A_45 : memref<1x!tpu.dma_semaphore, #tpu.memory_space<semaphore_mem>> -> memref<!tpu.dma_semaphore, #tpu.memory_space<semaphore_mem>>
    %dma_wait3A_47 = arith.constant 0 : i32
    %dma_wait3A_48 = arith.constant 0 : i32
    %dma_wait3A_49 = tpu.memref_slice %arg4[%dma_wait3A, %dma_wait3A_47, %dma_wait3A_48] : memref<2x32x1024xf32, #tpu.memory_space<vmem>> -> memref<1x32x1024xf32, #tpu.memory_space<vmem>>
    %dma_wait3A_50 = tpu.memref_squeeze %dma_wait3A_49 : memref<1x32x1024xf32, #tpu.memory_space<vmem>> -> memref<32x1024xf32, #tpu.memory_space<vmem>>
    %dma_wait3A_51 = arith.constant 0 : i32
    %dma_wait3A_52 = tpu.memref_slice %arg2[%add3A_37, %dma_wait3A_51] : memref<8192x1024xf32, #tpu.memory_space<hbm>> -> memref<32x1024xf32, #tpu.memory_space<hbm>>
    tpu.wait_dma2 semaphore(%dma_wait3A_46 : memref<!tpu.dma_semaphore, #tpu.memory_space<semaphore_mem>>) src(%dma_wait3A_52 : memref<32x1024xf32, #tpu.memory_space<hbm>>) dst(%dma_wait3A_50 : memref<32x1024xf32, #tpu.memory_space<vmem>>)
    %add3A_53 = arith.constant 0 : i32
    %add3A_54 = arith.addi %mul3A_2, %add3A_53 : i32
    %dma_start3A_55 = arith.constant 0 : i32
    %dma_start3A_56 = arith.constant 0 : i32
    %dma_start3A_57 = arith.constant 0 : i32
    %dma_start3A_58 = arith.constant 0 : i32
    %dma_start3A_59 = tpu.memref_slice %arg4[%dma_start3A_55, %dma_start3A_57, %dma_start3A_58] : memref<2x32x1024xf32, #tpu.memory_space<vmem>> -> memref<1x32x1024xf32, #tpu.memory_space<vmem>>
    %dma_start3A_60 = tpu.memref_squeeze %dma_start3A_59 : memref<1x32x1024xf32, #tpu.memory_space<vmem>> -> memref<32x1024xf32, #tpu.memory_space<vmem>>
    %dma_start3A_61 = arith.constant 0 : i32
    %dma_start3A_62 = tpu.memref_slice %arg3[%add3A_54, %dma_start3A_61] : memref<4096x1024xf32, #tpu.memory_space<hbm>> -> memref<32x1024xf32, #tpu.memory_space<hbm>>
    %dma_start3A_63 = tpu.memref_slice %arg6[%dma_start3A_56] : memref<2x!tpu.dma_semaphore, #tpu.memory_space<semaphore_mem>> -> memref<1x!tpu.dma_semaphore, #tpu.memory_space<semaphore_mem>>
    %dma_start3A_64 = tpu.memref_squeeze %dma_start3A_63 : memref<1x!tpu.dma_semaphore, #tpu.memory_space<semaphore_mem>> -> memref<!tpu.dma_semaphore, #tpu.memory_space<semaphore_mem>>
    %dma_start3A_65 = arith.constant 0 : i32
    %dma_start3A_66 = tpu.memref_slice %arg3[%add3A_54, %dma_start3A_65] : memref<4096x1024xf32, #tpu.memory_space<hbm>> -> memref<32x1024xf32, #tpu.memory_space<hbm>>
    %dma_start3A_67 = arith.constant 0 : i32
    %dma_start3A_68 = arith.constant 0 : i32
    %dma_start3A_69 = tpu.memref_slice %arg4[%dma_start3A_55, %dma_start3A_67, %dma_start3A_68] : memref<2x32x1024xf32, #tpu.memory_space<vmem>> -> memref<1x32x1024xf32, #tpu.memory_space<vmem>>
    %dma_start3A_70 = tpu.memref_squeeze %dma_start3A_69 : memref<1x32x1024xf32, #tpu.memory_space<vmem>> -> memref<32x1024xf32, #tpu.memory_space<vmem>>
    tpu.enqueue_dma source(%dma_start3A_70 : memref<32x1024xf32, #tpu.memory_space<vmem>>) target(%dma_start3A_66 : memref<32x1024xf32, #tpu.memory_space<hbm>>) target_semaphore(%dma_start3A_64 : memref<!tpu.dma_semaphore, #tpu.memory_space<semaphore_mem>>)
    %add3A_71 = arith.constant 0 : i32
    %add3A_72 = arith.addi %mul3A_2, %add3A_71 : i32
    %dma_wait3A_73 = arith.constant 0 : i32
    %dma_wait3A_74 = arith.constant 0 : i32
    %dma_wait3A_75 = arith.constant 0 : i32
    %dma_wait3A_76 = arith.constant 0 : i32
    %dma_wait3A_77 = tpu.memref_slice %arg4[%dma_wait3A_73, %dma_wait3A_75, %dma_wait3A_76] : memref<2x32x1024xf32, #tpu.memory_space<vmem>> -> memref<1x32x1024xf32, #tpu.memory_space<vmem>>
    %dma_wait3A_78 = tpu.memref_squeeze %dma_wait3A_77 : memref<1x32x1024xf32, #tpu.memory_space<vmem>> -> memref<32x1024xf32, #tpu.memory_space<vmem>>
    %dma_wait3A_79 = arith.constant 0 : i32
    %dma_wait3A_80 = tpu.memref_slice %arg3[%add3A_72, %dma_wait3A_79] : memref<4096x1024xf32, #tpu.memory_space<hbm>> -> memref<32x1024xf32, #tpu.memory_space<hbm>>
    %dma_wait3A_81 = tpu.memref_slice %arg6[%dma_wait3A_74] : memref<2x!tpu.dma_semaphore, #tpu.memory_space<semaphore_mem>> -> memref<1x!tpu.dma_semaphore, #tpu.memory_space<semaphore_mem>>
    %dma_wait3A_82 = tpu.memref_squeeze %dma_wait3A_81 : memref<1x!tpu.dma_semaphore, #tpu.memory_space<semaphore_mem>> -> memref<!tpu.dma_semaphore, #tpu.memory_space<semaphore_mem>>
    %dma_wait3A_83 = arith.constant 0 : i32
    %dma_wait3A_84 = tpu.memref_slice %arg3[%add3A_72, %dma_wait3A_83] : memref<4096x1024xf32, #tpu.memory_space<hbm>> -> memref<32x1024xf32, #tpu.memory_space<hbm>>
    %dma_wait3A_85 = arith.constant 0 : i32
    %dma_wait3A_86 = arith.constant 0 : i32
    %dma_wait3A_87 = tpu.memref_slice %arg4[%dma_wait3A_73, %dma_wait3A_85, %dma_wait3A_86] : memref<2x32x1024xf32, #tpu.memory_space<vmem>> -> memref<1x32x1024xf32, #tpu.memory_space<vmem>>
    %dma_wait3A_88 = tpu.memref_squeeze %dma_wait3A_87 : memref<1x32x1024xf32, #tpu.memory_space<vmem>> -> memref<32x1024xf32, #tpu.memory_space<vmem>>
    tpu.wait_dma2 semaphore(%dma_wait3A_82 : memref<!tpu.dma_semaphore, #tpu.memory_space<semaphore_mem>>) src(%dma_wait3A_88 : memref<32x1024xf32, #tpu.memory_space<vmem>>) dst(%dma_wait3A_84 : memref<32x1024xf32, #tpu.memory_space<hbm>>)
    %add3A_89 = arith.constant 64 : i32
    %add3A_90 = arith.addi %mul3A_2, %add3A_89 : i32
    %dma_start3A_91 = arith.constant 0 : i32
    %dma_start3A_92 = arith.constant 0 : i32
    %dma_start3A_93 = arith.constant 0 : i32
    %dma_start3A_94 = arith.constant 0 : i32
    %dma_start3A_95 = tpu.memref_slice %arg4[%dma_start3A_91, %dma_start3A_93, %dma_start3A_94] : memref<2x32x1024xf32, #tpu.memory_space<vmem>> -> memref<1x32x1024xf32, #tpu.memory_space<vmem>>
    %dma_start3A_96 = tpu.memref_squeeze %dma_start3A_95 : memref<1x32x1024xf32, #tpu.memory_space<vmem>> -> memref<32x1024xf32, #tpu.memory_space<vmem>>
    %dma_start3A_97 = arith.constant 0 : i32
    %dma_start3A_98 = tpu.memref_slice %arg2[%add3A_90, %dma_start3A_97] : memref<8192x1024xf32, #tpu.memory_space<hbm>> -> memref<32x1024xf32, #tpu.memory_space<hbm>>
    %dma_start3A_99 = tpu.memref_slice %arg5[%dma_start3A_92] : memref<2x!tpu.dma_semaphore, #tpu.memory_space<semaphore_mem>> -> memref<1x!tpu.dma_semaphore, #tpu.memory_space<semaphore_mem>>
    %dma_start3A_100 = tpu.memref_squeeze %dma_start3A_99 : memref<1x!tpu.dma_semaphore, #tpu.memory_space<semaphore_mem>> -> memref<!tpu.dma_semaphore, #tpu.memory_space<semaphore_mem>>
    %dma_start3A_101 = arith.constant 0 : i32
    %dma_start3A_102 = arith.constant 0 : i32
    %dma_start3A_103 = tpu.memref_slice %arg4[%dma_start3A_91, %dma_start3A_101, %dma_start3A_102] : memref<2x32x1024xf32, #tpu.memory_space<vmem>> -> memref<1x32x1024xf32, #tpu.memory_space<vmem>>
    %dma_start3A_104 = tpu.memref_squeeze %dma_start3A_103 : memref<1x32x1024xf32, #tpu.memory_space<vmem>> -> memref<32x1024xf32, #tpu.memory_space<vmem>>
    %dma_start3A_105 = arith.constant 0 : i32
    %dma_start3A_106 = tpu.memref_slice %arg2[%add3A_90, %dma_start3A_105] : memref<8192x1024xf32, #tpu.memory_space<hbm>> -> memref<32x1024xf32, #tpu.memory_space<hbm>>
    tpu.enqueue_dma source(%dma_start3A_106 : memref<32x1024xf32, #tpu.memory_space<hbm>>) target(%dma_start3A_104 : memref<32x1024xf32, #tpu.memory_space<vmem>>) target_semaphore(%dma_start3A_100 : memref<!tpu.dma_semaphore, #tpu.memory_space<semaphore_mem>>)
    %add3A_107 = arith.constant 32 : i32
    %add3A_108 = arith.addi %mul3A_2, %add3A_107 : i32
    %dma_wait3A_109 = arith.constant 1 : i32
    %dma_wait3A_110 = arith.constant 1 : i32
    %dma_wait3A_111 = arith.constant 0 : i32
    %dma_wait3A_112 = arith.constant 0 : i32
    %dma_wait3A_113 = tpu.memref_slice %arg4[%dma_wait3A_109, %dma_wait3A_111, %dma_wait3A_112] : memref<2x32x1024xf32, #tpu.memory_space<vmem>> -> memref<1x32x1024xf32, #tpu.memory_space<vmem>>
    %dma_wait3A_114 = tpu.memref_squeeze %dma_wait3A_113 : memref<1x32x1024xf32, #tpu.memory_space<vmem>> -> memref<32x1024xf32, #tpu.memory_space<vmem>>
    %dma_wait3A_115 = arith.constant 0 : i32
    %dma_wait3A_116 = tpu.memref_slice %arg2[%add3A_108, %dma_wait3A_115] : memref<8192x1024xf32, #tpu.memory_space<hbm>> -> memref<32x1024xf32, #tpu.memory_space<hbm>>
    %dma_wait3A_117 = tpu.memref_slice %arg5[%dma_wait3A_110] : memref<2x!tpu.dma_semaphore, #tpu.memory_space<semaphore_mem>> -> memref<1x!tpu.dma_semaphore, #tpu.memory_space<semaphore_mem>>
    %dma_wait3A_118 = tpu.memref_squeeze %dma_wait3A_117 : memref<1x!tpu.dma_semaphore, #tpu.memory_space<semaphore_mem>> -> memref<!tpu.dma_semaphore, #tpu.memory_space<semaphore_mem>>
    %dma_wait3A_119 = arith.constant 0 : i32
    %dma_wait3A_120 = arith.constant 0 : i32
    %dma_wait3A_121 = tpu.memref_slice %arg4[%dma_wait3A_109, %dma_wait3A_119, %dma_wait3A_120] : memref<2x32x1024xf32, #tpu.memory_space<vmem>> -> memref<1x32x1024xf32, #tpu.memory_space<vmem>>
    %dma_wait3A_122 = tpu.memref_squeeze %dma_wait3A_121 : memref<1x32x1024xf32, #tpu.memory_space<vmem>> -> memref<32x1024xf32, #tpu.memory_space<vmem>>
    %dma_wait3A_123 = arith.constant 0 : i32
    %dma_wait3A_124 = tpu.memref_slice %arg2[%add3A_108, %dma_wait3A_123] : memref<8192x1024xf32, #tpu.memory_space<hbm>> -> memref<32x1024xf32, #tpu.memory_space<hbm>>
    tpu.wait_dma2 semaphore(%dma_wait3A_118 : memref<!tpu.dma_semaphore, #tpu.memory_space<semaphore_mem>>) src(%dma_wait3A_124 : memref<32x1024xf32, #tpu.memory_space<hbm>>) dst(%dma_wait3A_122 : memref<32x1024xf32, #tpu.memory_space<vmem>>)
    %add3A_125 = arith.constant 32 : i32
    %add3A_126 = arith.addi %mul3A_2, %add3A_125 : i32
    %dma_start3A_127 = arith.constant 1 : i32
    %dma_start3A_128 = arith.constant 1 : i32
    %dma_start3A_129 = arith.constant 0 : i32
    %dma_start3A_130 = arith.constant 0 : i32
    %dma_start3A_131 = tpu.memref_slice %arg4[%dma_start3A_127, %dma_start3A_129, %dma_start3A_130] : memref<2x32x1024xf32, #tpu.memory_space<vmem>> -> memref<1x32x1024xf32, #tpu.memory_space<vmem>>
    %dma_start3A_132 = tpu.memref_squeeze %dma_start3A_131 : memref<1x32x1024xf32, #tpu.memory_space<vmem>> -> memref<32x1024xf32, #tpu.memory_space<vmem>>
    %dma_start3A_133 = arith.constant 0 : i32
    %dma_start3A_134 = tpu.memref_slice %arg3[%add3A_126, %dma_start3A_133] : memref<4096x1024xf32, #tpu.memory_space<hbm>> -> memref<32x1024xf32, #tpu.memory_space<hbm>>
    %dma_start3A_135 = tpu.memref_slice %arg6[%dma_start3A_128] : memref<2x!tpu.dma_semaphore, #tpu.memory_space<semaphore_mem>> -> memref<1x!tpu.dma_semaphore, #tpu.memory_space<semaphore_mem>>
    %dma_start3A_136 = tpu.memref_squeeze %dma_start3A_135 : memref<1x!tpu.dma_semaphore, #tpu.memory_space<semaphore_mem>> -> memref<!tpu.dma_semaphore, #tpu.memory_space<semaphore_mem>>
    %dma_start3A_137 = arith.constant 0 : i32
    %dma_start3A_138 = tpu.memref_slice %arg3[%add3A_126, %dma_start3A_137] : memref<4096x1024xf32, #tpu.memory_space<hbm>> -> memref<32x1024xf32, #tpu.memory_space<hbm>>
    %dma_start3A_139 = arith.constant 0 : i32
    %dma_start3A_140 = arith.constant 0 : i32
    %dma_start3A_141 = tpu.memref_slice %arg4[%dma_start3A_127, %dma_start3A_139, %dma_start3A_140] : memref<2x32x1024xf32, #tpu.memory_space<vmem>> -> memref<1x32x1024xf32, #tpu.memory_space<vmem>>
    %dma_start3A_142 = tpu.memref_squeeze %dma_start3A_141 : memref<1x32x1024xf32, #tpu.memory_space<vmem>> -> memref<32x1024xf32, #tpu.memory_space<vmem>>
    tpu.enqueue_dma source(%dma_start3A_142 : memref<32x1024xf32, #tpu.memory_space<vmem>>) target(%dma_start3A_138 : memref<32x1024xf32, #tpu.memory_space<hbm>>) target_semaphore(%dma_start3A_136 : memref<!tpu.dma_semaphore, #tpu.memory_space<semaphore_mem>>)
    %add3A_143 = arith.constant 32 : i32
    %add3A_144 = arith.addi %mul3A_2, %add3A_143 : i32
    %dma_wait3A_145 = arith.constant 1 : i32
    %dma_wait3A_146 = arith.constant 1 : i32
    %dma_wait3A_147 = arith.constant 0 : i32
    %dma_wait3A_148 = arith.constant 0 : i32
    %dma_wait3A_149 = tpu.memref_slice %arg4[%dma_wait3A_145, %dma_wait3A_147, %dma_wait3A_148] : memref<2x32x1024xf32, #tpu.memory_space<vmem>> -> memref<1x32x1024xf32, #tpu.memory_space<vmem>>
    %dma_wait3A_150 = tpu.memref_squeeze %dma_wait3A_149 : memref<1x32x1024xf32, #tpu.memory_space<vmem>> -> memref<32x1024xf32, #tpu.memory_space<vmem>>
    %dma_wait3A_151 = arith.constant 0 : i32
    %dma_wait3A_152 = tpu.memref_slice %arg3[%add3A_144, %dma_wait3A_151] : memref<4096x1024xf32, #tpu.memory_space<hbm>> -> memref<32x1024xf32, #tpu.memory_space<hbm>>
    %dma_wait3A_153 = tpu.memref_slice %arg6[%dma_wait3A_146] : memref<2x!tpu.dma_semaphore, #tpu.memory_space<semaphore_mem>> -> memref<1x!tpu.dma_semaphore, #tpu.memory_space<semaphore_mem>>
    %dma_wait3A_154 = tpu.memref_squeeze %dma_wait3A_153 : memref<1x!tpu.dma_semaphore, #tpu.memory_space<semaphore_mem>> -> memref<!tpu.dma_semaphore, #tpu.memory_space<semaphore_mem>>
    %dma_wait3A_155 = arith.constant 0 : i32
    %dma_wait3A_156 = tpu.memref_slice %arg3[%add3A_144, %dma_wait3A_155] : memref<4096x1024xf32, #tpu.memory_space<hbm>> -> memref<32x1024xf32, #tpu.memory_space<hbm>>
    %dma_wait3A_157 = arith.constant 0 : i32
    %dma_wait3A_158 = arith.constant 0 : i32
    %dma_wait3A_159 = tpu.memref_slice %arg4[%dma_wait3A_145, %dma_wait3A_157, %dma_wait3A_158] : memref<2x32x1024xf32, #tpu.memory_space<vmem>> -> memref<1x32x1024xf32, #tpu.memory_space<vmem>>
    %dma_wait3A_160 = tpu.memref_squeeze %dma_wait3A_159 : memref<1x32x1024xf32, #tpu.memory_space<vmem>> -> memref<32x1024xf32, #tpu.memory_space<vmem>>
    tpu.wait_dma2 semaphore(%dma_wait3A_154 : memref<!tpu.dma_semaphore, #tpu.memory_space<semaphore_mem>>) src(%dma_wait3A_160 : memref<32x1024xf32, #tpu.memory_space<vmem>>) dst(%dma_wait3A_156 : memref<32x1024xf32, #tpu.memory_space<hbm>>)
    %add3A_161 = arith.constant 96 : i32
    %add3A_162 = arith.addi %mul3A_2, %add3A_161 : i32
    %dma_start3A_163 = arith.constant 1 : i32
    %dma_start3A_164 = arith.constant 1 : i32
    %dma_start3A_165 = arith.constant 0 : i32
    %dma_start3A_166 = arith.constant 0 : i32
    %dma_start3A_167 = tpu.memref_slice %arg4[%dma_start3A_163, %dma_start3A_165, %dma_start3A_166] : memref<2x32x1024xf32, #tpu.memory_space<vmem>> -> memref<1x32x1024xf32, #tpu.memory_space<vmem>>
    %dma_start3A_168 = tpu.memref_squeeze %dma_start3A_167 : memref<1x32x1024xf32, #tpu.memory_space<vmem>> -> memref<32x1024xf32, #tpu.memory_space<vmem>>
    %dma_start3A_169 = arith.constant 0 : i32
    %dma_start3A_170 = tpu.memref_slice %arg2[%add3A_162, %dma_start3A_169] : memref<8192x1024xf32, #tpu.memory_space<hbm>> -> memref<32x1024xf32, #tpu.memory_space<hbm>>
    %dma_start3A_171 = tpu.memref_slice %arg5[%dma_start3A_164] : memref<2x!tpu.dma_semaphore, #tpu.memory_space<semaphore_mem>> -> memref<1x!tpu.dma_semaphore, #tpu.memory_space<semaphore_mem>>
    %dma_start3A_172 = tpu.memref_squeeze %dma_start3A_171 : memref<1x!tpu.dma_semaphore, #tpu.memory_space<semaphore_mem>> -> memref<!tpu.dma_semaphore, #tpu.memory_space<semaphore_mem>>
    %dma_start3A_173 = arith.constant 0 : i32
    %dma_start3A_174 = arith.constant 0 : i32
    %dma_start3A_175 = tpu.memref_slice %arg4[%dma_start3A_163, %dma_start3A_173, %dma_start3A_174] : memref<2x32x1024xf32, #tpu.memory_space<vmem>> -> memref<1x32x1024xf32, #tpu.memory_space<vmem>>
    %dma_start3A_176 = tpu.memref_squeeze %dma_start3A_175 : memref<1x32x1024xf32, #tpu.memory_space<vmem>> -> memref<32x1024xf32, #tpu.memory_space<vmem>>
    %dma_start3A_177 = arith.constant 0 : i32
    %dma_start3A_178 = tpu.memref_slice %arg2[%add3A_162, %dma_start3A_177] : memref<8192x1024xf32, #tpu.memory_space<hbm>> -> memref<32x1024xf32, #tpu.memory_space<hbm>>
    tpu.enqueue_dma source(%dma_start3A_178 : memref<32x1024xf32, #tpu.memory_space<hbm>>) target(%dma_start3A_176 : memref<32x1024xf32, #tpu.memory_space<vmem>>) target_semaphore(%dma_start3A_172 : memref<!tpu.dma_semaphore, #tpu.memory_space<semaphore_mem>>)
    %add3A_179 = arith.constant 64 : i32
    %add3A_180 = arith.addi %mul3A_2, %add3A_179 : i32
    %dma_wait3A_181 = arith.constant 0 : i32
    %dma_wait3A_182 = arith.constant 0 : i32
    %dma_wait3A_183 = arith.constant 0 : i32
    %dma_wait3A_184 = arith.constant 0 : i32
    %dma_wait3A_185 = tpu.memref_slice %arg4[%dma_wait3A_181, %dma_wait3A_183, %dma_wait3A_184] : memref<2x32x1024xf32, #tpu.memory_space<vmem>> -> memref<1x32x1024xf32, #tpu.memory_space<vmem>>
    %dma_wait3A_186 = tpu.memref_squeeze %dma_wait3A_185 : memref<1x32x1024xf32, #tpu.memory_space<vmem>> -> memref<32x1024xf32, #tpu.memory_space<vmem>>
    %dma_wait3A_187 = arith.constant 0 : i32
    %dma_wait3A_188 = tpu.memref_slice %arg2[%add3A_180, %dma_wait3A_187] : memref<8192x1024xf32, #tpu.memory_space<hbm>> -> memref<32x1024xf32, #tpu.memory_space<hbm>>
    %dma_wait3A_189 = tpu.memref_slice %arg5[%dma_wait3A_182] : memref<2x!tpu.dma_semaphore, #tpu.memory_space<semaphore_mem>> -> memref<1x!tpu.dma_semaphore, #tpu.memory_space<semaphore_mem>>
    %dma_wait3A_190 = tpu.memref_squeeze %dma_wait3A_189 : memref<1x!tpu.dma_semaphore, #tpu.memory_space<semaphore_mem>> -> memref<!tpu.dma_semaphore, #tpu.memory_space<semaphore_mem>>
    %dma_wait3A_191 = arith.constant 0 : i32
    %dma_wait3A_192 = arith.constant 0 : i32
    %dma_wait3A_193 = tpu.memref_slice %arg4[%dma_wait3A_181, %dma_wait3A_191, %dma_wait3A_192] : memref<2x32x1024xf32, #tpu.memory_space<vmem>> -> memref<1x32x1024xf32, #tpu.memory_space<vmem>>
    %dma_wait3A_194 = tpu.memref_squeeze %dma_wait3A_193 : memref<1x32x1024xf32, #tpu.memory_space<vmem>> -> memref<32x1024xf32, #tpu.memory_space<vmem>>
    %dma_wait3A_195 = arith.constant 0 : i32
    %dma_wait3A_196 = tpu.memref_slice %arg2[%add3A_180, %dma_wait3A_195] : memref<8192x1024xf32, #tpu.memory_space<hbm>> -> memref<32x1024xf32, #tpu.memory_space<hbm>>
    tpu.wait_dma2 semaphore(%dma_wait3A_190 : memref<!tpu.dma_semaphore, #tpu.memory_space<semaphore_mem>>) src(%dma_wait3A_196 : memref<32x1024xf32, #tpu.memory_space<hbm>>) dst(%dma_wait3A_194 : memref<32x1024xf32, #tpu.memory_space<vmem>>)
    %add3A_197 = arith.constant 64 : i32
    %add3A_198 = arith.addi %mul3A_2, %add3A_197 : i32
    %dma_start3A_199 = arith.constant 0 : i32
    %dma_start3A_200 = arith.constant 0 : i32
    %dma_start3A_201 = arith.constant 0 : i32
    %dma_start3A_202 = arith.constant 0 : i32
    %dma_start3A_203 = tpu.memref_slice %arg4[%dma_start3A_199, %dma_start3A_201, %dma_start3A_202] : memref<2x32x1024xf32, #tpu.memory_space<vmem>> -> memref<1x32x1024xf32, #tpu.memory_space<vmem>>
    %dma_start3A_204 = tpu.memref_squeeze %dma_start3A_203 : memref<1x32x1024xf32, #tpu.memory_space<vmem>> -> memref<32x1024xf32, #tpu.memory_space<vmem>>
    %dma_start3A_205 = arith.constant 0 : i32
    %dma_start3A_206 = tpu.memref_slice %arg3[%add3A_198, %dma_start3A_205] : memref<4096x1024xf32, #tpu.memory_space<hbm>> -> memref<32x1024xf32, #tpu.memory_space<hbm>>
    %dma_start3A_207 = tpu.memref_slice %arg6[%dma_start3A_200] : memref<2x!tpu.dma_semaphore, #tpu.memory_space<semaphore_mem>> -> memref<1x!tpu.dma_semaphore, #tpu.memory_space<semaphore_mem>>
    %dma_start3A_208 = tpu.memref_squeeze %dma_start3A_207 : memref<1x!tpu.dma_semaphore, #tpu.memory_space<semaphore_mem>> -> memref<!tpu.dma_semaphore, #tpu.memory_space<semaphore_mem>>
    %dma_start3A_209 = arith.constant 0 : i32
    %dma_start3A_210 = tpu.memref_slice %arg3[%add3A_198, %dma_start3A_209] : memref<4096x1024xf32, #tpu.memory_space<hbm>> -> memref<32x1024xf32, #tpu.memory_space<hbm>>
    %dma_start3A_211 = arith.constant 0 : i32
    %dma_start3A_212 = arith.constant 0 : i32
    %dma_start3A_213 = tpu.memref_slice %arg4[%dma_start3A_199, %dma_start3A_211, %dma_start3A_212] : memref<2x32x1024xf32, #tpu.memory_space<vmem>> -> memref<1x32x1024xf32, #tpu.memory_space<vmem>>
    %dma_start3A_214 = tpu.memref_squeeze %dma_start3A_213 : memref<1x32x1024xf32, #tpu.memory_space<vmem>> -> memref<32x1024xf32, #tpu.memory_space<vmem>>
    tpu.enqueue_dma source(%dma_start3A_214 : memref<32x1024xf32, #tpu.memory_space<vmem>>) target(%dma_start3A_210 : memref<32x1024xf32, #tpu.memory_space<hbm>>) target_semaphore(%dma_start3A_208 : memref<!tpu.dma_semaphore, #tpu.memory_space<semaphore_mem>>)
    %add3A_215 = arith.constant 96 : i32
    %add3A_216 = arith.addi %mul3A_2, %add3A_215 : i32
    %dma_wait3A_217 = arith.constant 1 : i32
    %dma_wait3A_218 = arith.constant 1 : i32
    %dma_wait3A_219 = arith.constant 0 : i32
    %dma_wait3A_220 = arith.constant 0 : i32
    %dma_wait3A_221 = tpu.memref_slice %arg4[%dma_wait3A_217, %dma_wait3A_219, %dma_wait3A_220] : memref<2x32x1024xf32, #tpu.memory_space<vmem>> -> memref<1x32x1024xf32, #tpu.memory_space<vmem>>
    %dma_wait3A_222 = tpu.memref_squeeze %dma_wait3A_221 : memref<1x32x1024xf32, #tpu.memory_space<vmem>> -> memref<32x1024xf32, #tpu.memory_space<vmem>>
    %dma_wait3A_223 = arith.constant 0 : i32
    %dma_wait3A_224 = tpu.memref_slice %arg2[%add3A_216, %dma_wait3A_223] : memref<8192x1024xf32, #tpu.memory_space<hbm>> -> memref<32x1024xf32, #tpu.memory_space<hbm>>
    %dma_wait3A_225 = tpu.memref_slice %arg5[%dma_wait3A_218] : memref<2x!tpu.dma_semaphore, #tpu.memory_space<semaphore_mem>> -> memref<1x!tpu.dma_semaphore, #tpu.memory_space<semaphore_mem>>
    %dma_wait3A_226 = tpu.memref_squeeze %dma_wait3A_225 : memref<1x!tpu.dma_semaphore, #tpu.memory_space<semaphore_mem>> -> memref<!tpu.dma_semaphore, #tpu.memory_space<semaphore_mem>>
    %dma_wait3A_227 = arith.constant 0 : i32
    %dma_wait3A_228 = arith.constant 0 : i32
    %dma_wait3A_229 = tpu.memref_slice %arg4[%dma_wait3A_217, %dma_wait3A_227, %dma_wait3A_228] : memref<2x32x1024xf32, #tpu.memory_space<vmem>> -> memref<1x32x1024xf32, #tpu.memory_space<vmem>>
    %dma_wait3A_230 = tpu.memref_squeeze %dma_wait3A_229 : memref<1x32x1024xf32, #tpu.memory_space<vmem>> -> memref<32x1024xf32, #tpu.memory_space<vmem>>
    %dma_wait3A_231 = arith.constant 0 : i32
    %dma_wait3A_232 = tpu.memref_slice %arg2[%add3A_216, %dma_wait3A_231] : memref<8192x1024xf32, #tpu.memory_space<hbm>> -> memref<32x1024xf32, #tpu.memory_space<hbm>>
    tpu.wait_dma2 semaphore(%dma_wait3A_226 : memref<!tpu.dma_semaphore, #tpu.memory_space<semaphore_mem>>) src(%dma_wait3A_232 : memref<32x1024xf32, #tpu.memory_space<hbm>>) dst(%dma_wait3A_230 : memref<32x1024xf32, #tpu.memory_space<vmem>>)
    %add3A_233 = arith.constant 96 : i32
    %add3A_234 = arith.addi %mul3A_2, %add3A_233 : i32
    %dma_start3A_235 = arith.constant 1 : i32
    %dma_start3A_236 = arith.constant 1 : i32
    %dma_start3A_237 = arith.constant 0 : i32
    %dma_start3A_238 = arith.constant 0 : i32
    %dma_start3A_239 = tpu.memref_slice %arg4[%dma_start3A_235, %dma_start3A_237, %dma_start3A_238] : memref<2x32x1024xf32, #tpu.memory_space<vmem>> -> memref<1x32x1024xf32, #tpu.memory_space<vmem>>
    %dma_start3A_240 = tpu.memref_squeeze %dma_start3A_239 : memref<1x32x1024xf32, #tpu.memory_space<vmem>> -> memref<32x1024xf32, #tpu.memory_space<vmem>>
    %dma_start3A_241 = arith.constant 0 : i32
    %dma_start3A_242 = tpu.memref_slice %arg3[%add3A_234, %dma_start3A_241] : memref<4096x1024xf32, #tpu.memory_space<hbm>> -> memref<32x1024xf32, #tpu.memory_space<hbm>>
    %dma_start3A_243 = tpu.memref_slice %arg6[%dma_start3A_236] : memref<2x!tpu.dma_semaphore, #tpu.memory_space<semaphore_mem>> -> memref<1x!tpu.dma_semaphore, #tpu.memory_space<semaphore_mem>>
    %dma_start3A_244 = tpu.memref_squeeze %dma_start3A_243 : memref<1x!tpu.dma_semaphore, #tpu.memory_space<semaphore_mem>> -> memref<!tpu.dma_semaphore, #tpu.memory_space<semaphore_mem>>
    %dma_start3A_245 = arith.constant 0 : i32
    %dma_start3A_246 = tpu.memref_slice %arg3[%add3A_234, %dma_start3A_245] : memref<4096x1024xf32, #tpu.memory_space<hbm>> -> memref<32x1024xf32, #tpu.memory_space<hbm>>
    %dma_start3A_247 = arith.constant 0 : i32
    %dma_start3A_248 = arith.constant 0 : i32
    %dma_start3A_249 = tpu.memref_slice %arg4[%dma_start3A_235, %dma_start3A_247, %dma_start3A_248] : memref<2x32x1024xf32, #tpu.memory_space<vmem>> -> memref<1x32x1024xf32, #tpu.memory_space<vmem>>
    %dma_start3A_250 = tpu.memref_squeeze %dma_start3A_249 : memref<1x32x1024xf32, #tpu.memory_space<vmem>> -> memref<32x1024xf32, #tpu.memory_space<vmem>>
    tpu.enqueue_dma source(%dma_start3A_250 : memref<32x1024xf32, #tpu.memory_space<vmem>>) target(%dma_start3A_246 : memref<32x1024xf32, #tpu.memory_space<hbm>>) target_semaphore(%dma_start3A_244 : memref<!tpu.dma_semaphore, #tpu.memory_space<semaphore_mem>>)
    %add3A_251 = arith.constant 64 : i32
    %add3A_252 = arith.addi %mul3A_2, %add3A_251 : i32
    %dma_wait3A_253 = arith.constant 0 : i32
    %dma_wait3A_254 = arith.constant 0 : i32
    %dma_wait3A_255 = arith.constant 0 : i32
    %dma_wait3A_256 = arith.constant 0 : i32
    %dma_wait3A_257 = tpu.memref_slice %arg4[%dma_wait3A_253, %dma_wait3A_255, %dma_wait3A_256] : memref<2x32x1024xf32, #tpu.memory_space<vmem>> -> memref<1x32x1024xf32, #tpu.memory_space<vmem>>
    %dma_wait3A_258 = tpu.memref_squeeze %dma_wait3A_257 : memref<1x32x1024xf32, #tpu.memory_space<vmem>> -> memref<32x1024xf32, #tpu.memory_space<vmem>>
    %dma_wait3A_259 = arith.constant 0 : i32
    %dma_wait3A_260 = tpu.memref_slice %arg3[%add3A_252, %dma_wait3A_259] : memref<4096x1024xf32, #tpu.memory_space<hbm>> -> memref<32x1024xf32, #tpu.memory_space<hbm>>
    %dma_wait3A_261 = tpu.memref_slice %arg6[%dma_wait3A_254] : memref<2x!tpu.dma_semaphore, #tpu.memory_space<semaphore_mem>> -> memref<1x!tpu.dma_semaphore, #tpu.memory_space<semaphore_mem>>
    %dma_wait3A_262 = tpu.memref_squeeze %dma_wait3A_261 : memref<1x!tpu.dma_semaphore, #tpu.memory_space<semaphore_mem>> -> memref<!tpu.dma_semaphore, #tpu.memory_space<semaphore_mem>>
    %dma_wait3A_263 = arith.constant 0 : i32
    %dma_wait3A_264 = tpu.memref_slice %arg3[%add3A_252, %dma_wait3A_263] : memref<4096x1024xf32, #tpu.memory_space<hbm>> -> memref<32x1024xf32, #tpu.memory_space<hbm>>
    %dma_wait3A_265 = arith.constant 0 : i32
    %dma_wait3A_266 = arith.constant 0 : i32
    %dma_wait3A_267 = tpu.memref_slice %arg4[%dma_wait3A_253, %dma_wait3A_265, %dma_wait3A_266] : memref<2x32x1024xf32, #tpu.memory_space<vmem>> -> memref<1x32x1024xf32, #tpu.memory_space<vmem>>
    %dma_wait3A_268 = tpu.memref_squeeze %dma_wait3A_267 : memref<1x32x1024xf32, #tpu.memory_space<vmem>> -> memref<32x1024xf32, #tpu.memory_space<vmem>>
    tpu.wait_dma2 semaphore(%dma_wait3A_262 : memref<!tpu.dma_semaphore, #tpu.memory_space<semaphore_mem>>) src(%dma_wait3A_268 : memref<32x1024xf32, #tpu.memory_space<vmem>>) dst(%dma_wait3A_264 : memref<32x1024xf32, #tpu.memory_space<hbm>>)
    %add3A_269 = arith.constant 96 : i32
    %add3A_270 = arith.addi %mul3A_2, %add3A_269 : i32
    %dma_wait3A_271 = arith.constant 1 : i32
    %dma_wait3A_272 = arith.constant 1 : i32
    %dma_wait3A_273 = arith.constant 0 : i32
    %dma_wait3A_274 = arith.constant 0 : i32
    %dma_wait3A_275 = tpu.memref_slice %arg4[%dma_wait3A_271, %dma_wait3A_273, %dma_wait3A_274] : memref<2x32x1024xf32, #tpu.memory_space<vmem>> -> memref<1x32x1024xf32, #tpu.memory_space<vmem>>
    %dma_wait3A_276 = tpu.memref_squeeze %dma_wait3A_275 : memref<1x32x1024xf32, #tpu.memory_space<vmem>> -> memref<32x1024xf32, #tpu.memory_space<vmem>>
    %dma_wait3A_277 = arith.constant 0 : i32
    %dma_wait3A_278 = tpu.memref_slice %arg3[%add3A_270, %dma_wait3A_277] : memref<4096x1024xf32, #tpu.memory_space<hbm>> -> memref<32x1024xf32, #tpu.memory_space<hbm>>
    %dma_wait3A_279 = tpu.memref_slice %arg6[%dma_wait3A_272] : memref<2x!tpu.dma_semaphore, #tpu.memory_space<semaphore_mem>> -> memref<1x!tpu.dma_semaphore, #tpu.memory_space<semaphore_mem>>
    %dma_wait3A_280 = tpu.memref_squeeze %dma_wait3A_279 : memref<1x!tpu.dma_semaphore, #tpu.memory_space<semaphore_mem>> -> memref<!tpu.dma_semaphore, #tpu.memory_space<semaphore_mem>>
    %dma_wait3A_281 = arith.constant 0 : i32
    %dma_wait3A_282 = tpu.memref_slice %arg3[%add3A_270, %dma_wait3A_281] : memref<4096x1024xf32, #tpu.memory_space<hbm>> -> memref<32x1024xf32, #tpu.memory_space<hbm>>
    %dma_wait3A_283 = arith.constant 0 : i32
    %dma_wait3A_284 = arith.constant 0 : i32
    %dma_wait3A_285 = tpu.memref_slice %arg4[%dma_wait3A_271, %dma_wait3A_283, %dma_wait3A_284] : memref<2x32x1024xf32, #tpu.memory_space<vmem>> -> memref<1x32x1024xf32, #tpu.memory_space<vmem>>
    %dma_wait3A_286 = tpu.memref_squeeze %dma_wait3A_285 : memref<1x32x1024xf32, #tpu.memory_space<vmem>> -> memref<32x1024xf32, #tpu.memory_space<vmem>>
    tpu.wait_dma2 semaphore(%dma_wait3A_280 : memref<!tpu.dma_semaphore, #tpu.memory_space<semaphore_mem>>) src(%dma_wait3A_286 : memref<32x1024xf32, #tpu.memory_space<vmem>>) dst(%dma_wait3A_282 : memref<32x1024xf32, #tpu.memory_space<hbm>>)
    return
  }
}

</mosaic_0001>

<sc_bundles>
// kernel: kernel.3.cloned.1.call-start
scs
__scs_entry_jumppad:
0x0: {  	(pc) =	sbr.rel $0x88, $3  }
0x1: {  	(tag) =	ssettag $0x0;
	lr =	simm.s32 $0x1  }
0x2: {  	[smem:$0x3FA0] =	sst lr;
	_ =	strace $0xD0000000  }
0x3: {  	_ = 	snop  }
0x4: {  	_ = 	snop  }
0x5: {  	_ = 	snop  }
0x6: {  	_ = 	snop  }
0x7: {  	_ = 	snop  }
__scs_overlays_trampoline_lowered:
0x8: {  	[smem:$0x3FAF] =	sst s0  }
0x9: {  	[smem:$0x3FB0] =	sst s1  }
0xa: {  	[smem:$0x3FB1] =	sst s2  }
0xb: {  	[smem:$0x3FB2] =	sst s3  }
0xc: {  	[smem:$0x3FB3] =	sst s4  }
0xd: {  	[smem:$0x3FB4] =	sst s5  }
0xe: {  	[smem:$0x3FB5] =	sst s6  }
0xf: {  	[smem:$0x3FB6] =	sst s7  }
0x10: {  	[smem:$0x3FB7] =	sst s8  }
0x11: {  	[smem:$0x3FB8] =	sst s9;
	s0 =	simm.s32 @!p0 $0x0  }
0x12: {  	s1 =	sld [smem:$0x3F9E];
	s0 =	simm.s32 @p0 $0x1  }
0x13: {  	[smem:$0x3FB9] =	sst s0;
	s0 =	simm.s32 @!p1 $0x0  }
0x14: {  	s2 =	sld [smem:$0x3F9D];
	s0 =	simm.s32 @p1 $0x1  }
0x15: {  	[smem:$0x3FBA] =	sst s0;
	s0 =	simm.s32 @!p2 $0x0  }
0x16: {  	s3 =	sld [smem:$0x3FDB];
	s0 =	simm.s32 @p2 $0x1  }
0x17: {  	s4 =	simm.s32 $0x1BF5;
	[smem:$0x3FBC] =	sst s0  }
0x18: {  	s0 =	sld [smem:$0x3F9F];
	_ =	swait.ge [sflag:s4], $0x0  }
0x19: {  	s7 =	sld [smem:$0x3FA0]  }
0x1a: {  	s8 =	sadd.s32 $0xFFFFE003, lr  }
0x1b: {  	s9 =	sadd.s32 $0xFFFFFEF7, lr;
	s5 =	simm.s32 $0xFFFFFFFF;
	p2 =	slt.u32 s8, $0xFFFFF086  }
0x1c: {  	p1 =	slt.u32 s9, $0xF7A;
	s5 =	simm.s32 @!p2 $0x0  }
0x1d: {  	s5 =	simm.s32 @p1 $0x1;
	p0 =	seq.s32 s7, s2  }
0x1e: {  	s7 =	smul.u32 @!p0 $0xF7A, s2;
	p2 =	seq.s32 @!p0 s5, $0x0  }
0x1f: {  	s9 =	smul.u32 $0xF7A, s1;
	s8 =	simm.s32 @!p0 $0x1BF5;
	p2 =	por !p2, p0  }
0x20: {  	[sflag:s8] =	ssyncset.s32 @!p0 $0xFFFFF086;
	s6 =	sadd.s32 @!p0 s3, s7;
	s7 =	simm.s32 @!p0 $0x108  }
0x21: {  	s3 =	sadd.s32 s3, s9;
	s6 =	sadd.s32 @!p0 $0x88, s6;
	s7 =	simm.s32 @p2 $0x1082  }
0x22: {  	[simem:s7], [sflag:s8] =	dma.local @!p0 [hbm:s6], $0xF7A  }
0x23: {  	s9 =	sor.u32 $0xD0000000, s2;
	s6 =	simm.s32 $0x108;
	_ =	swait.ge @!p0 [sflag:s8], $0x0  }
0x24: {  	s3 =	sadd.s32 $0x88, s3;
	s6 =	simm.s32 @!p1 $0x1082;
	[sflag:s4] =	ssyncset.s32 $0xFFFFF086  }
0x25: {  	[simem:s6], [sflag:s4] =	dma.local [hbm:s3], $0xF7A  }
0x26: {  	[smem:$0x3FA0] =	sst s1;
	(tag) =	ssettag s2;
	_ =	strace s9  }
0x27: {  	s1 =	sld [smem:$0x3FB0]  }
0x28: {  	s2 =	sld [smem:$0x3FB1]  }
0x29: {  	s4 =	sld [smem:$0x3FB3]  }
0x2a: {  	p0 =	seq.s32 s5, $0x0;
	s5 =	sld [smem:$0x3FB4]  }
0x2b: {  	s6 =	sld [smem:$0x3FB5]  }
0x2c: {  	s7 =	sld [smem:$0x3FB6]  }
0x2d: {  	s3 =	simm.s32 $0x108;
	s8 =	sld [smem:$0x3FB7]  }
0x2e: {  	s3 =	simm.s32 @!p0 $0x1082;
	s9 =	sld [smem:$0x3FB8]  }
0x2f: {  	lr =	sadd.s32 s0, s3;
	s0 =	sld [smem:$0x3FAF]  }
0x30: {  	s3 =	sld [smem:$0x3FB2]  }
0x31: {  	[smem:$0x3FBB] =	sst s10  }
0x32: {  	s10 =	sld [smem:$0x3FB9];
	_ =	sdelay $0x3  }
0x33: {  	p0 =	seq.s32 s10, $0x1;
	s10 =	sld [smem:$0x3FBB];
	_ =	sdelay $0x3  }
0x34: {  	[smem:$0x3FBB] =	sst s10  }
0x35: {  	s10 =	sld [smem:$0x3FBA];
	_ =	sdelay $0x3  }
0x36: {  	p1 =	seq.s32 s10, $0x1;
	s10 =	sld [smem:$0x3FBB];
	_ =	sdelay $0x3  }
0x37: {  	[smem:$0x3FBB] =	sst s10  }
0x38: {  	s10 =	sld [smem:$0x3FBC]  }
0x39: {  	_ = 	snop;
	(pc) =	sbr.ind lr, $3  }
0x3a: {  	_ = 	snop  }
0x3b: {  	_ = 	snop  }
0x3c: {  	p2 =	seq.s32 s10, $0x1;
	s10 =	sld [smem:$0x3FBB]  }
0x3d: {  	_ =	shalt  }
0x3e: {  	_ =	shalt  }
0x3f: {  	_ =	shalt  }
0x40: {  	_ =	shalt  }
0x41: {  	_ =	shalt  }
0x42: {  	_ =	shalt  }
0x43: {  	_ =	shalt  }
0x44: {  	_ =	shalt  }
0x45: {  	_ =	shalt  }
0x46: {  	_ =	shalt  }
0x47: {  	_ =	shalt  }
0x48: {  	_ =	shalt  }
0x49: {  	_ =	shalt  }
0x4a: {  	_ =	shalt  }
0x4b: {  	_ =	shalt  }
0x4c: {  	_ =	shalt  }
0x4d: {  	_ =	shalt  }
0x4e: {  	_ =	shalt  }
0x4f: {  	_ =	shalt  }
0x50: {  	_ =	shalt  }
0x51: {  	_ =	shalt  }
0x52: {  	_ =	shalt  }
0x53: {  	_ =	shalt  }
0x54: {  	_ =	shalt  }
0x55: {  	_ =	shalt  }
0x56: {  	_ =	shalt  }
0x57: {  	_ =	shalt  }
0x58: {  	_ =	shalt  }
0x59: {  	_ =	shalt  }
0x5a: {  	_ =	shalt  }
0x5b: {  	_ =	shalt  }
0x5c: {  	_ =	shalt  }
0x5d: {  	_ =	shalt  }
0x5e: {  	_ =	shalt  }
0x5f: {  	_ =	shalt  }
0x60: {  	_ =	shalt  }
0x61: {  	_ =	shalt  }
0x62: {  	_ =	shalt  }
0x63: {  	_ =	shalt  }
0x64: {  	_ =	shalt  }
0x65: {  	_ =	shalt  }
0x66: {  	_ =	shalt  }
0x67: {  	_ =	shalt  }
0x68: {  	_ =	shalt  }
0x69: {  	_ =	shalt  }
0x6a: {  	_ =	shalt  }
0x6b: {  	_ =	shalt  }
0x6c: {  	_ =	shalt  }
0x6d: {  	_ =	shalt  }
0x6e: {  	_ =	shalt  }
0x6f: {  	_ =	shalt  }
0x70: {  	_ =	shalt  }
0x71: {  	_ =	shalt  }
0x72: {  	_ =	shalt  }
0x73: {  	_ =	shalt  }
0x74: {  	_ =	shalt  }
0x75: {  	_ =	shalt  }
0x76: {  	_ =	shalt  }
0x77: {  	_ =	shalt  }
0x78: {  	_ =	shalt  }
0x79: {  	_ =	shalt  }
0x7a: {  	_ =	shalt  }
0x7b: {  	_ =	shalt  }
0x7c: {  	_ =	shalt  }
0x7d: {  	_ =	shalt  }
0x7e: {  	_ =	shalt  }
0x7f: {  	_ =	shalt  }
0x80: {  	_ =	shalt  }
0x81: {  	_ =	shalt  }
0x82: {  	_ =	shalt  }
0x83: {  	_ =	shalt  }
0x84: {  	_ =	shalt  }
0x85: {  	_ =	shalt  }
0x86: {  	_ =	shalt  }
0x87: {  	_ =	shalt  }
.Lfunc_end0:
.L_simem_size_0:
called_computation_lowered:
.L_overlay_start_0:
0x88: {  	s2 =	sld [smem:$0x3FD9]  }
0x89: {  	s3 =	sld [smem:$0x3FFE];
	_ =	sdelay $0x1  }
0x8a: {  	s1 =	srdreg.scid  }
0x8b: {  	s0 =	sand.u32 $0x1, s1  }
0x8c: {  	s18 =	sshll.u32 s0, $0xA;
	s2 =	sadd.s32 s3, s2  }
0x8d: {  	s2 =	sadd.s32 s2, s18  }
0x8e: {  	[smem:$0x3FC7] =	sst s2  }
0x8f: {  	_ = 	snop  }
0x90: {  	s2 =	sld [smem:$0x3FC9]  }
0x91: {  	s19 =	sld [smem:$0x3FD0];
	(tm) =	ssettm $0x1  }
0x92: {  	s4 =	sld [smem:$0x3FFB];
	_ =	sdelay $0x3  }
0x93: {  	_ =	strace s4  }
0x94: {  	s4 =	sld [smem:$0x3FFC];
	_ =	sdelay $0x3  }
0x95: {  	_ =	strace s4  }
0x96: {  	s4 =	sld [smem:$0x3FFD];
	_ =	sdelay $0x3  }
0x97: {  	_ =	strace s4  }
0x98: {  	_ =	strace $0x8FFFFFFF  }
0x99: {  	s20 =	sld [smem:$0x3FDB];
	_ =	sdelay $0x1  }
0x9a: {  	s5 =	simm.s32 $_scs_section_size  }
0x9b: {  	s6 =	simm.s32 $_size__tile_overlayer_lowered;
	s7 =	simm.s32 $_tile_overlayer_lowered  }
0x9c: {  	s23 =	simm.s32 $0x1BFF;
	s22 =	sshll.u32 s7, $0x1;
	s4 =	sadd.s32 s5, s20  }
0x9d: {  	s8 =	simm.s32 $0x0;
	s21 =	sshll.u32 s6, $0x1;
	s6 =	sadd.s32 s22, s4  }
0x9e: {  	[timem:s8], [sflag:s23] =	dma.local [hbm:s6], s21  }
0x9f: {  	_ =	swait.ge [sflag:s23], s21  }
0xa0: {  	s5 =	ssub.s32 $0x0, s21;
	[sflag:s23] =	ssyncset.done $0x0  }
0xa1: {  	[sflag:s23] =	ssyncadd.s32 s5;
	_ =	sdelay $0x1  }
0xa2: {  	s24 =	simm.s32 $0x1B8B  }
0xa3: {  	_ =	swait.ge [sflag:s24], $0x1  }
0xa4: {  	[sflag:s24] =	ssyncset.done $0x0  }
0xa5: {  	s25 =	simm.s32 $0x1B8E;
	[sflag:s24] =	ssyncadd.s32 $0xFFFFFFFF  }
0xa6: {  	s26 =	simm.s32 $execute0_lowered;
	[smem:$0x3FD2] =	sst s25  }
0xa7: {  	s5 =	sshll.u32 s26, $0x1;
	_ =	strace $0x80000046;
	[dreg:$0x1] =	wrdreg $0xFFFFFFFF  }
0xa8: {  	s28 =	simm.s32 $_size_execute0_lowered;
	s4 =	sadd.s32 s4, s5;
	[dreg:$0x0] =	wrdreg $0x0  }
0xa9: {  	s5 =	sshll.u32 s28, $0x1;
	[dreg:$0x2] =	wrdreg s4  }
0xaa: {  	[dreg:$0x3] =	wrdreg s5  }
0xab: {  	[dreg:$0x4] =	wrdreg $0xC0  }
0xac: {  	_ =	task [dreg:s8], $0x5FFFF  }
0xad: {  	[dreg:$0x1] =	wrdreg $0xFFFFFFFF  }
0xae: {  	[dreg:$0x0] =	wrdreg $0x60  }
0xaf: {  	[dreg:$0x2] =	wrdreg s2  }
0xb0: {  	[dreg:$0x3] =	wrdreg s19  }
0xb1: {  	[dreg:$0x4] =	wrdreg $0x9  }
0xb2: {  	_ =	task.clear_ibuf [dreg:s8], $0x5FFFF;
	_ =	strace $0x90000046  }
0xb3: {  	s29 =	simm.s32 $0x9;
	_ =	strace $0x80000048  }
0xb4: {  	_ =	swait.ge [sflag:s29], $0x1  }
0xb5: {  	[sflag:s29] =	ssyncadd.s32 $0xFFFFFFFF  }
0xb6: {  	_ =	strace $0x90000048  }
0xb7: {  	_ =	sfence  }
0xb8: {  	s30 =	sld [smem:$0x0];
	_ =	sdelay $0x2  }
0xb9: {  	s31 =	sshll.u32 s1, $0xD;
	s1 =	sshrl.u32 s1, $0x2  }
0xba: {  	s3 =	sand.u32 $0x4000, s31;
	s1 =	sadd.s32 s1, s30  }
0xbb: {  	s0 =	sor.u32 s3, s0;
	s1 =	sshll.u32 s1, $0x11  }
0xbc: {  	s0 =	sor.u32 s1, s0  }
0xbd: {  	s0 =	sadd.s32 $0x8F2B, s0  }
0xbe: {  	[sflag:s0] =	ssyncadd.remote.s32 $0x1  }
0xbf: {  	_ =	sfence.sel $0xFFFF  }
0xc0: {  	[dreg:$0x0] =	wrdreg $0xFFFFFFFF;
	(pc) =	sbr.abs _section_cstart, $3  }
0xc1: {  	[dreg:$0x1] =	wrdreg $0xFFFFFFFF  }
0xc2: {  	_ =	task.clear_ibuf [dreg:s8], $0x2FFFF;
	_ =	strace $0x9FFFFFFF  }
0xc3: {  	(tm) =	ssettm $0x7FFFFFFF  }
tec
execute0_lowered:
.L_overlay_start_1:
0x0: {  	(tag) =	ssettag $0x1  }
0x1: {  	s13 =	rddreg [dreg:$0x0]  }
0x2: {  	s15 =	rddreg [dreg:$0x1];
	s2 =	srdreg.scid  }
0x3: {  	s0 =	rddreg [dreg:$0x2];
	s1 =	stileid.u32;
	s16 =	sand.u32 $0x1, s2  }
0x4: {  	s2 =	simm.s32 $0x0;
	s3 =	sshll.u32 s1, $0xF;
	s4 =	sshll.u32 s16, $0xE  }
0x5: {  	[smem:$0x7FF] =	sst s2;
	s14 =	sor.u32 s4, s3  }
0x6: {  	_ =	strace $0x80000047;
	s3 =	sadd.s32 s13, s14;
	s11 =	sor.u32 $0x1000, s14  }
0x7: {  	[tilespmem:s2], [sflag:$0x1] =	stream.linear.gather [hbm4b:s3+s2], $0x8000, $0x38;
	[tilespmem:$0x10000] =	vst v63  }
0x8: {  	s5 =	simm.s32 $0x8000;
	s6 =	simm.s32 $0x1;
	s4 =	sadd.s32 s13, s11  }
0x9: {  	[tilespmem:s5], [sflag:$0x2] =	stream.linear.gather [hbm4b:s4+s2], $0x8000, $0x38;
	[tilespmem:$0x10000] =	vst v63  }
0xa: {  	_ =	swait.ge [sflag:s6], $0x8000  }
0xb: {  	[sflag:s6] =	ssyncset.done $0x0  }
0xc: {  	s8 =	simm.s32 $0x3;
	s7 =	sadd.s32 s15, s14;
	[sflag:s6] =	ssyncadd.s32 $0xFFFF8000  }
0xd: {  	[hbm4b:s7+s2] =	stream.linear.scatter [tilespmem:s2], [sflag:$0x3], $0x8000, $0x38;
	[tilespmem:$0x10000] =	vst v63  }
0xe: {  	_ =	swait.ge [sflag:s8], $0x8000  }
0xf: {  	s17 =	sor.u32 $0x2000, s14;
	[sflag:s8] =	ssyncset.done $0x0  }
0x10: {  	s10 =	simm.s32 $0x2;
	s9 =	sadd.s32 s13, s17;
	[sflag:s8] =	ssyncadd.s32 $0xFFFF8000  }
0x11: {  	[tilespmem:s2], [sflag:$0x1] =	stream.linear.gather [hbm4b:s9+s2], $0x8000, $0x38;
	[tilespmem:$0x10000] =	vst v63  }
0x12: {  	_ =	swait.ge [sflag:s10], $0x8000  }
0x13: {  	[sflag:s10] =	ssyncset.done $0x0  }
0x14: {  	s12 =	sadd.s32 s15, s11;
	s11 =	simm.s32 $0x4;
	[sflag:s10] =	ssyncadd.s32 $0xFFFF8000  }
0x15: {  	[hbm4b:s12+s2] =	stream.linear.scatter [tilespmem:s5], [sflag:$0x4], $0x8000, $0x38;
	[tilespmem:$0x10000] =	vst v63  }
0x16: {  	_ =	swait.ge [sflag:s11], $0x8000  }
0x17: {  	s18 =	sor.u32 $0x3000, s14;
	[sflag:s11] =	ssyncset.done $0x0  }
0x18: {  	s13 =	sadd.s32 s13, s18;
	[sflag:s11] =	ssyncadd.s32 $0xFFFF8000  }
0x19: {  	[tilespmem:s5], [sflag:$0x2] =	stream.linear.gather [hbm4b:s13+s2], $0x8000, $0x38;
	[tilespmem:$0x10000] =	vst v63  }
0x1a: {  	_ =	swait.ge [sflag:s6], $0x8000  }
0x1b: {  	s16 =	ssub.s32 $0x2, s16;
	[sflag:s6] =	ssyncset.done $0x0  }
0x1c: {  	s31 =	sshrl.u32 s16, $0x1;
	s14 =	sadd.s32 s15, s17;
	[sflag:s6] =	ssyncadd.s32 $0xFFFF8000  }
0x1d: {  	[hbm4b:s14+s2] =	stream.linear.scatter [tilespmem:s2], [sflag:$0x3], $0x8000, $0x38;
	[tilespmem:$0x10000] =	vst v63  }
0x1e: {  	s16 =	ssub.s32 s16, s31;
	_ =	swait.ge [sflag:s10], $0x8000  }
0x1f: {  	s16 =	smax.u32 s16, $0x1;
	[sflag:s10] =	ssyncset.done $0x0  }
0x20: {  	s15 =	sadd.s32 s15, s18;
	p0 =	sne.s32 s16, $0x1;
	[sflag:s10] =	ssyncadd.s32 $0xFFFF8000  }
0x21: {  	[hbm4b:s15+s2] =	stream.linear.scatter [tilespmem:s5], [sflag:$0x4], $0x8000, $0x38;
	[tilespmem:$0x10000] =	vst v63  }
.Ltmp0:
0x22: {  	_ =	swait.ge [sflag:s8], $0x8000;
	(pc) =	sbr.rel @!p0 .LBB2_2-.Ltmp0, $4  }
0x23: {  	[sflag:s8] =	ssyncset.done $0x0  }
0x24: {  	[sflag:s8] =	ssyncadd.s32 $0xFFFF8000  }
0x25: {  	_ =	swait.ge [sflag:s11], $0x8000  }
0x26: {  	s16 =	sadd.s32 $0xFFFFFFFF, s16;
	[sflag:s11] =	ssyncset.done $0x0  }
.LBB2_1:
0x27: {  	p0 =	sne.s32 s16, $0x1;
	s16 =	sadd.s32 $0xFFFFFFFF, s16;
	[sflag:s11] =	ssyncadd.s32 $0xFFFF8000  }
0x28: {  	[tilespmem:s2], [sflag:$0x1] =	stream.linear.gather [hbm4b:s3+s2], $0x8000, $0x38;
	[tilespmem:$0x10000] =	vst v63  }
0x29: {  	_ = 	snop  }
0x2a: {  	[tilespmem:s5], [sflag:$0x2] =	stream.linear.gather [hbm4b:s4+s2], $0x8000, $0x38;
	[tilespmem:$0x10000] =	vst v63  }
0x2b: {  	_ =	swait.ge [sflag:s6], $0x8000  }
0x2c: {  	[sflag:s6] =	ssyncset.done $0x0  }
0x2d: {  	[sflag:s6] =	ssyncadd.s32 $0xFFFF8000  }
0x2e: {  	[hbm4b:s7+s2] =	stream.linear.scatter [tilespmem:s2], [sflag:$0x3], $0x8000, $0x38;
	[tilespmem:$0x10000] =	vst v63  }
0x2f: {  	_ =	swait.ge [sflag:s8], $0x8000  }
0x30: {  	[sflag:s8] =	ssyncset.done $0x0  }
0x31: {  	[sflag:s8] =	ssyncadd.s32 $0xFFFF8000  }
0x32: {  	[tilespmem:s2], [sflag:$0x1] =	stream.linear.gather [hbm4b:s9+s2], $0x8000, $0x38;
	[tilespmem:$0x10000] =	vst v63  }
0x33: {  	_ =	swait.ge [sflag:s10], $0x8000  }
0x34: {  	[sflag:s10] =	ssyncset.done $0x0  }
0x35: {  	[sflag:s10] =	ssyncadd.s32 $0xFFFF8000  }
0x36: {  	[hbm4b:s12+s2] =	stream.linear.scatter [tilespmem:s5], [sflag:$0x4], $0x8000, $0x38;
	[tilespmem:$0x10000] =	vst v63  }
0x37: {  	_ =	swait.ge [sflag:s11], $0x8000  }
0x38: {  	[sflag:s11] =	ssyncset.done $0x0  }
0x39: {  	[sflag:s11] =	ssyncadd.s32 $0xFFFF8000  }
0x3a: {  	[tilespmem:s5], [sflag:$0x2] =	stream.linear.gather [hbm4b:s13+s2], $0x8000, $0x38;
	[tilespmem:$0x10000] =	vst v63  }
0x3b: {  	_ =	swait.ge [sflag:s6], $0x8000  }
0x3c: {  	[sflag:s6] =	ssyncset.done $0x0  }
0x3d: {  	[sflag:s6] =	ssyncadd.s32 $0xFFFF8000  }
0x3e: {  	[hbm4b:s14+s2] =	stream.linear.scatter [tilespmem:s2], [sflag:$0x3], $0x8000, $0x38;
	[tilespmem:$0x10000] =	vst v63  }
0x3f: {  	_ =	swait.ge [sflag:s10], $0x8000  }
0x40: {  	[sflag:s10] =	ssyncset.done $0x0  }
0x41: {  	[sflag:s10] =	ssyncadd.s32 $0xFFFF8000  }
0x42: {  	[hbm4b:s15+s2] =	stream.linear.scatter [tilespmem:s5], [sflag:$0x4], $0x8000, $0x38;
	[tilespmem:$0x10000] =	vst v63  }
.Ltmp1:
0x43: {  	_ =	swait.ge [sflag:s8], $0x8000;
	(pc) =	sbr.rel @p0 .LBB2_1-.Ltmp1, $4  }
0x44: {  	[sflag:s8] =	ssyncset.done $0x0  }
0x45: {  	[sflag:s8] =	ssyncadd.s32 $0xFFFF8000  }
0x46: {  	_ =	swait.ge [sflag:s11], $0x8000  }
0x47: {  	[sflag:s11] =	ssyncset.done $0x0  }
.LBB2_2:
0x48: {  	[sflag:s11] =	ssyncadd.s32 $0xFFFF8000  }
0x49: {  	_ =	sfence.sel $0x180000  }
0x4a: {  	[bflag:$0x0] =	sbarrier.arrive $0xFFFF  }
0x4b: {  	p0 =	sne.s32 s1, $0x0;
	_ =	strace $0x90000047  }
0x4c: {  	s0 =	sadd.s32 @!p0 $0x100000, s0;
	[bflag:$0x2] =	sbarrier.arrive $0xFFFF  }
0x4d: {  	[sflag:s0] =	ssyncadd.tile.s32 @!p0 $0x1;
	_ =	shalt  }
.Lfunc_end2:
_tile_overlayer_lowered:
.L_overlay_start_2:
0x4e: {  	(tag) =	ssettag $0x2  }
0x4f: {  	s0 =	rddreg [dreg:$0x0];
	s2 =	stileid.u32  }
0x50: {  	s1 =	rddreg [dreg:$0x1];
	p0 =	sne.s32 s2, $0x0  }
0x51: {  	s3 =	rddreg [dreg:$0x2];
	[bflag:$0x3] =	sbarrier.arrive $0xFFFF;
	s2 =	simm.s32 @!p0 $0x1C05  }
0x52: {  	[timem:s3], [sflag:s2] =	dma.local @!p0 [hbm:s0], s1  }
0x53: {  	s0 =	simm.s32 @!p0 $0x5  }
0x54: {  	_ =	swait.ge @!p0 [sflag:s0], s1  }
0x55: {  	s1 =	ssub.s32 @!p0 $0x0, s1;
	[sflag:s0] =	ssyncset.done @!p0 $0x0  }
0x56: {  	[sflag:s0] =	ssyncadd.s32 @!p0 s1  }
0x57: {  	[bflag:$0x3] =	sbarrier.arrive $0xFFFF  }
0x58: {  	_ =	shalt  }

</sc_bundles>
